<compile_context>
chip_gen: v7x
topology: tpu7x:2x2x1
jax: 0.10.2.dev20260603
libtpu: 0.0.44.dev20260713+nightly
codegen_flags: <defaults>
</compile_context>

<pallas_src>
import functools

import jax
import jax.numpy as jnp
from jax import lax
from jax.experimental import pallas as pl
from jax.experimental.pallas import tpu as pltpu
from jax.experimental.pallas import tpu_sc as plsc

_B = 4096
_L = 200
_D = 128
_BT = _B * _L

_NC = 2
_NS = 16
_NW = _NC * _NS
_CH = 128
_RPW = _BT // _NW
_CPW = _RPW // _CH
_NBUF = 4
assert _RPW % _CH == 0 and _CPW % _NBUF == 0 and _NBUF % 2 == 0

_mesh = plsc.VectorSubcoreMesh(core_axis_name="c", subcore_axis_name="s")


@functools.partial(
    pl.kernel,
    mesh=_mesh,
    out_type=jax.ShapeDtypeStruct((_BT, _D), jnp.float32),
    scratch_types=[
        pltpu.VMEM((_CPW, _CH), jnp.int32),
        *([pltpu.VMEM((_CH, _D), jnp.float32)] * _NBUF),
        *([pltpu.SemaphoreType.DMA] * (2 * _NBUF)),
    ],
)
def _gather_k(idx_hbm, table_hbm, out_hbm, idx_v, *bufs_and_sems):
    rows = bufs_and_sems[:_NBUF]
    gsem = bufs_and_sems[_NBUF:2 * _NBUF]
    ssem = bufs_and_sems[2 * _NBUF:]

    wid = lax.axis_index("s") * _NC + lax.axis_index("c")
    pltpu.sync_copy(idx_hbm.at[pl.ds(wid * _CPW, _CPW)], idx_v)

    def out_slice(c):
        return out_hbm.at[pl.ds((c * _NW + wid) * _CH, _CH)]

    def start_gather(c, b):
        pltpu.async_copy(table_hbm.at[idx_v.at[c]], rows[b], gsem[b])

    def wait_gather(c, b):
        pltpu.make_async_copy(table_hbm.at[idx_v.at[c]], rows[b], gsem[b]).wait()

    def start_store(c, b):
        pltpu.async_copy(rows[b], out_slice(c), ssem[b])

    def wait_store(c, b):
        pltpu.make_async_copy(rows[b], out_slice(c), ssem[b]).wait()

    def body(it, carry):
        c0 = it * _NBUF
        for p in range(_NBUF // 2):
            b0, b1 = 2 * p, 2 * p + 1

            @pl.when(it > 0)
            def _(b0=b0, b1=b1, c0=c0):
                wait_store(c0, b0)
                wait_store(c0, b1)

            start_gather(c0 + b0, b0)
            start_gather(c0 + b1, b1)
            wait_gather(c0 + b0, b0)
            start_store(c0 + b0, b0)
            wait_gather(c0 + b1, b1)
            start_store(c0 + b1, b1)
        return carry

    lax.fori_loop(0, _CPW // _NBUF, body, 0)
    for b in range(_NBUF):
        wait_store(_CPW - _NBUF + b, b)


def kernel(inp, table):
    idx = inp[..., 0].astype(jnp.int32).reshape(_CPW, _NW, _CH)
    idx = idx.transpose(1, 0, 2).reshape(_NW * _CPW, _CH)
    out = _gather_k(idx, table)
    return out.reshape(_B, _L, _D)

# --- scband reference (transcript-rebuilt; emitter-appended) ---
"""Pipeline reference for scband-embeddings-84275848282348 (READ-ONLY COPY).

The authoritative reference and input builder live on the scoring server;
editing this copy changes nothing except your own understanding.
"""

import jax, jax.numpy as jnp
import numpy as np

VOCAB = 100000
DIM = 128
BATCH = 4096
SEQLEN = 200

def setup_inputs(seed: int = 0) -> dict:
    key = jax.random.key(seed)
    k_idx, k_tbl = jax.random.split(key)
    # indices: batch x len x nfeat (nfeat=1, word ids only)
    inp = jax.random.randint(k_idx, (BATCH, SEQLEN, 1), 0, VOCAB)
    # word embedding table, init_model(): normal(0, 0.1)
    table = jax.random.normal(k_tbl, (VOCAB, DIM), dtype=jnp.float32) * 0.1
    return {"inp": inp, "table": table}

def reference(inp, table):
    # inp: int[B, L, 1]; single lut -> word_lookup_table(inp.squeeze(2))
    idx = inp[..., 0]
    emb = jnp.take(table, idx, axis=0)  # [B, L, DIM]
    return emb

if __name__ == "__main__":
    import jax
    _d = setup_inputs()
    print(jax.jit(kernel)(*tuple(_d.values())))

</pallas_src>

<mosaic_0001>
#map = affine_map<(d0, d1) -> (0, 0)>
module attributes {stable_mosaic.version = 14 : i64} {
  func.func @_gather_k(%arg0: i32, %arg1: i32, %arg2: memref<6400x128xi32, #tpu.memory_space<hbm>>, %arg3: memref<100000x128xf32, #tpu.memory_space<hbm>>, %arg4: memref<819200x128xf32, #tpu.memory_space<hbm>>, %arg5: memref<200x128xi32, #tpu.memory_space<vmem>>, %arg6: memref<128x128xf32, #tpu.memory_space<vmem>>, %arg7: memref<128x128xf32, #tpu.memory_space<vmem>>, %arg8: memref<128x128xf32, #tpu.memory_space<vmem>>, %arg9: memref<128x128xf32, #tpu.memory_space<vmem>>, %arg10: memref<!tpu.dma_semaphore, #tpu.memory_space<semaphore_mem>>, %arg11: memref<!tpu.dma_semaphore, #tpu.memory_space<semaphore_mem>>, %arg12: memref<!tpu.dma_semaphore, #tpu.memory_space<semaphore_mem>>, %arg13: memref<!tpu.dma_semaphore, #tpu.memory_space<semaphore_mem>>, %arg14: memref<!tpu.dma_semaphore, #tpu.memory_space<semaphore_mem>>, %arg15: memref<!tpu.dma_semaphore, #tpu.memory_space<semaphore_mem>>, %arg16: memref<!tpu.dma_semaphore, #tpu.memory_space<semaphore_mem>>, %arg17: memref<!tpu.dma_semaphore, #tpu.memory_space<semaphore_mem>>) attributes {dimension_semantics = [#tpu.dimension_semantics<core_parallel>, #tpu.dimension_semantics<subcore_parallel>], iteration_bounds = array<i64: 2, 16>, scalar_prefetch = 0 : i64, scratch_operands = 13 : i64, tpu.core_type = #tpu.core_type<sc_vector_subcore>, window_params = [{transform_indices = #map}, {transform_indices = #map}, {transform_indices = #map}]} {
    %mul3A = arith.constant 2 : i32
    %mul3A_0 = arith.muli %arg1, %mul3A : i32
    %add3A = arith.addi %mul3A_0, %arg0 : i32
    %mul3A_1 = arith.constant 200 : i32
    %mul3A_2 = arith.muli %add3A, %mul3A_1 : i32
    "tpu.region"() ({
      %run_scoped3A = tpu.sem_alloc : memref<!tpu.dma_semaphore, #tpu.memory_space<semaphore_mem>>
      %dma_start3A = arith.constant 0 : i32
      %dma_start3A_39 = tpu.memref_slice %arg2[%mul3A_2, %dma_start3A] : memref<6400x128xi32, #tpu.memory_space<hbm>> -> memref<200x128xi32, #tpu.memory_space<hbm>>
      %dma_start3A_40 = arith.constant 0 : i32
      %dma_start3A_41 = tpu.memref_slice %arg2[%mul3A_2, %dma_start3A_40] : memref<6400x128xi32, #tpu.memory_space<hbm>> -> memref<200x128xi32, #tpu.memory_space<hbm>>
      tpu.enqueue_dma source(%dma_start3A_41 : memref<200x128xi32, #tpu.memory_space<hbm>>) target(%arg5 : memref<200x128xi32, #tpu.memory_space<vmem>>) target_semaphore(%run_scoped3A : memref<!tpu.dma_semaphore, #tpu.memory_space<semaphore_mem>>)
      %dma_wait3A_42 = arith.constant 0 : i32
      %dma_wait3A_43 = tpu.memref_slice %arg2[%mul3A_2, %dma_wait3A_42] : memref<6400x128xi32, #tpu.memory_space<hbm>> -> memref<200x128xi32, #tpu.memory_space<hbm>>
      %dma_wait3A_44 = arith.constant 0 : i32
      %dma_wait3A_45 = tpu.memref_slice %arg2[%mul3A_2, %dma_wait3A_44] : memref<6400x128xi32, #tpu.memory_space<hbm>> -> memref<200x128xi32, #tpu.memory_space<hbm>>
      tpu.wait_dma2 semaphore(%run_scoped3A : memref<!tpu.dma_semaphore, #tpu.memory_space<semaphore_mem>>) src(%dma_wait3A_45 : memref<200x128xi32, #tpu.memory_space<hbm>>) dst(%arg5 : memref<200x128xi32, #tpu.memory_space<vmem>>)
      tpu.yield
    }) : () -> ()
    %scan3A = arith.constant 0 : i32
    %scan3A_3 = arith.constant 0 : i32
    %scan3A_4 = arith.constant 50 : i32
    %scan3A_5 = arith.addi %scan3A_3, %scan3A_4 : i32
    %scan3A_6 = arith.constant 1 : i32
    scf.for %scan3A_39 = %scan3A_3 to %scan3A_5 step %scan3A_6  : i32 {
      %mul3A_40 = arith.constant 4 : i32
      %mul3A_41 = arith.muli %scan3A_39, %mul3A_40 : i32
      %gt3A = arith.constant 0 : i32
      %gt3A_42 = arith.cmpi sgt, %scan3A_39, %gt3A : i32
      %convert_element_type3A = arith.extui %gt3A_42 : i1 to i32
      %cond3A = arith.constant 0 : i32
      %cond3A_43 = arith.cmpi ne, %convert_element_type3A, %cond3A : i32
      scf.if %cond3A_43 {
        %mul3A_156 = arith.constant 32 : i32
        %mul3A_157 = arith.muli %mul3A_41, %mul3A_156 : i32
        %add3A_158 = arith.addi %mul3A_157, %add3A : i32
        %mul3A_159 = arith.constant 128 : i32
        %mul3A_160 = arith.muli %add3A_158, %mul3A_159 : i32
        %dma_wait3A_161 = arith.constant 0 : i32
        %dma_wait3A_162 = tpu.memref_slice %arg4[%mul3A_160, %dma_wait3A_161] : memref<819200x128xf32, #tpu.memory_space<hbm>> -> memref<128x128xf32, #tpu.memory_space<hbm>>
        %dma_wait3A_163 = arith.constant 0 : i32
        %dma_wait3A_164 = tpu.memref_slice %arg4[%mul3A_160, %dma_wait3A_163] : memref<819200x128xf32, #tpu.memory_space<hbm>> -> memref<128x128xf32, #tpu.memory_space<hbm>>
        tpu.wait_dma2 semaphore(%arg14 : memref<!tpu.dma_semaphore, #tpu.memory_space<semaphore_mem>>) src(%arg6 : memref<128x128xf32, #tpu.memory_space<vmem>>) dst(%dma_wait3A_164 : memref<128x128xf32, #tpu.memory_space<hbm>>)
        %mul3A_165 = arith.constant 32 : i32
        %mul3A_166 = arith.muli %mul3A_41, %mul3A_165 : i32
        %add3A_167 = arith.addi %mul3A_166, %add3A : i32
        %mul3A_168 = arith.constant 128 : i32
        %mul3A_169 = arith.muli %add3A_167, %mul3A_168 : i32
        %dma_wait3A_170 = arith.constant 0 : i32
        %dma_wait3A_171 = tpu.memref_slice %arg4[%mul3A_169, %dma_wait3A_170] : memref<819200x128xf32, #tpu.memory_space<hbm>> -> memref<128x128xf32, #tpu.memory_space<hbm>>
        %dma_wait3A_172 = arith.constant 0 : i32
        %dma_wait3A_173 = tpu.memref_slice %arg4[%mul3A_169, %dma_wait3A_172] : memref<819200x128xf32, #tpu.memory_space<hbm>> -> memref<128x128xf32, #tpu.memory_space<hbm>>
        tpu.wait_dma2 semaphore(%arg15 : memref<!tpu.dma_semaphore, #tpu.memory_space<semaphore_mem>>) src(%arg7 : memref<128x128xf32, #tpu.memory_space<vmem>>) dst(%dma_wait3A_173 : memref<128x128xf32, #tpu.memory_space<hbm>>)
      } else {
      }
      %add3A_44 = arith.constant 0 : i32
      %add3A_45 = arith.addi %mul3A_41, %add3A_44 : i32
      %dma_start3A = arith.constant 0 : i32
      %dma_start3A_46 = tpu.memref_slice %arg5[%add3A_45, %dma_start3A] : memref<200x128xi32, #tpu.memory_space<vmem>> -> memref<1x128xi32, #tpu.memory_space<vmem>>
      %dma_start3A_47 = tpu.memref_squeeze %dma_start3A_46 : memref<1x128xi32, #tpu.memory_space<vmem>> -> memref<128xi32, #tpu.memory_space<vmem>>
      %dma_start3A_48 = arith.constant 0 : i32
      %dma_start3A_49 = arith.constant 0 : i32
      %dma_start3A_50 = tpu.memref_slice %arg3[%dma_start3A_48, %dma_start3A_49] : memref<100000x128xf32, #tpu.memory_space<hbm>> -> memref<100000x128xf32, #tpu.memory_space<hbm>>
      tpu.enqueue_indirect_dma source(%dma_start3A_50 : memref<100000x128xf32, #tpu.memory_space<hbm>>) target(%arg6 : memref<128x128xf32, #tpu.memory_space<vmem>>) offsets(%dma_start3A_47 : memref<128xi32, #tpu.memory_space<vmem>>) semaphore(%arg10 : memref<!tpu.dma_semaphore, #tpu.memory_space<semaphore_mem>>)
      %add3A_51 = arith.constant 1 : i32
      %add3A_52 = arith.addi %mul3A_41, %add3A_51 : i32
      %dma_start3A_53 = arith.constant 0 : i32
      %dma_start3A_54 = tpu.memref_slice %arg5[%add3A_52, %dma_start3A_53] : memref<200x128xi32, #tpu.memory_space<vmem>> -> memref<1x128xi32, #tpu.memory_space<vmem>>
      %dma_start3A_55 = tpu.memref_squeeze %dma_start3A_54 : memref<1x128xi32, #tpu.memory_space<vmem>> -> memref<128xi32, #tpu.memory_space<vmem>>
      %dma_start3A_56 = arith.constant 0 : i32
      %dma_start3A_57 = arith.constant 0 : i32
      %dma_start3A_58 = tpu.memref_slice %arg3[%dma_start3A_56, %dma_start3A_57] : memref<100000x128xf32, #tpu.memory_space<hbm>> -> memref<100000x128xf32, #tpu.memory_space<hbm>>
      tpu.enqueue_indirect_dma source(%dma_start3A_58 : memref<100000x128xf32, #tpu.memory_space<hbm>>) target(%arg7 : memref<128x128xf32, #tpu.memory_space<vmem>>) offsets(%dma_start3A_55 : memref<128xi32, #tpu.memory_space<vmem>>) semaphore(%arg11 : memref<!tpu.dma_semaphore, #tpu.memory_space<semaphore_mem>>)
      %add3A_59 = arith.constant 0 : i32
      %add3A_60 = arith.addi %mul3A_41, %add3A_59 : i32
      %dma_wait3A_61 = arith.constant 0 : i32
      %dma_wait3A_62 = tpu.memref_slice %arg5[%add3A_60, %dma_wait3A_61] : memref<200x128xi32, #tpu.memory_space<vmem>> -> memref<1x128xi32, #tpu.memory_space<vmem>>
      %dma_wait3A_63 = tpu.memref_squeeze %dma_wait3A_62 : memref<1x128xi32, #tpu.memory_space<vmem>> -> memref<128xi32, #tpu.memory_space<vmem>>
      %dma_wait3A_64 = arith.constant 0 : i32
      %dma_wait3A_65 = arith.constant 0 : i32
      %dma_wait3A_66 = tpu.memref_slice %arg3[%dma_wait3A_64, %dma_wait3A_65] : memref<100000x128xf32, #tpu.memory_space<hbm>> -> memref<100000x128xf32, #tpu.memory_space<hbm>>
      tpu.wait_indirect_dma semaphore(%arg10 : memref<!tpu.dma_semaphore, #tpu.memory_space<semaphore_mem>>) src(%dma_wait3A_66 : memref<100000x128xf32, #tpu.memory_space<hbm>>) dst(%arg6 : memref<128x128xf32, #tpu.memory_space<vmem>>)
      %add3A_67 = arith.constant 0 : i32
      %add3A_68 = arith.addi %mul3A_41, %add3A_67 : i32
      %mul3A_69 = arith.constant 32 : i32
      %mul3A_70 = arith.muli %add3A_68, %mul3A_69 : i32
      %add3A_71 = arith.addi %mul3A_70, %add3A : i32
      %mul3A_72 = arith.constant 128 : i32
      %mul3A_73 = arith.muli %add3A_71, %mul3A_72 : i32
      %dma_start3A_74 = arith.constant 0 : i32
      %dma_start3A_75 = tpu.memref_slice %arg4[%mul3A_73, %dma_start3A_74] : memref<819200x128xf32, #tpu.memory_space<hbm>> -> memref<128x128xf32, #tpu.memory_space<hbm>>
      %dma_start3A_76 = arith.constant 0 : i32
      %dma_start3A_77 = tpu.memref_slice %arg4[%mul3A_73, %dma_start3A_76] : memref<819200x128xf32, #tpu.memory_space<hbm>> -> memref<128x128xf32, #tpu.memory_space<hbm>>
      tpu.enqueue_dma source(%arg6 : memref<128x128xf32, #tpu.memory_space<vmem>>) target(%dma_start3A_77 : memref<128x128xf32, #tpu.memory_space<hbm>>) target_semaphore(%arg14 : memref<!tpu.dma_semaphore, #tpu.memory_space<semaphore_mem>>)
      %add3A_78 = arith.constant 1 : i32
      %add3A_79 = arith.addi %mul3A_41, %add3A_78 : i32
      %dma_wait3A_80 = arith.constant 0 : i32
      %dma_wait3A_81 = tpu.memref_slice %arg5[%add3A_79, %dma_wait3A_80] : memref<200x128xi32, #tpu.memory_space<vmem>> -> memref<1x128xi32, #tpu.memory_space<vmem>>
      %dma_wait3A_82 = tpu.memref_squeeze %dma_wait3A_81 : memref<1x128xi32, #tpu.memory_space<vmem>> -> memref<128xi32, #tpu.memory_space<vmem>>
      %dma_wait3A_83 = arith.constant 0 : i32
      %dma_wait3A_84 = arith.constant 0 : i32
      %dma_wait3A_85 = tpu.memref_slice %arg3[%dma_wait3A_83, %dma_wait3A_84] : memref<100000x128xf32, #tpu.memory_space<hbm>> -> memref<100000x128xf32, #tpu.memory_space<hbm>>
      tpu.wait_indirect_dma semaphore(%arg11 : memref<!tpu.dma_semaphore, #tpu.memory_space<semaphore_mem>>) src(%dma_wait3A_85 : memref<100000x128xf32, #tpu.memory_space<hbm>>) dst(%arg7 : memref<128x128xf32, #tpu.memory_space<vmem>>)
      %add3A_86 = arith.constant 1 : i32
      %add3A_87 = arith.addi %mul3A_41, %add3A_86 : i32
      %mul3A_88 = arith.constant 32 : i32
      %mul3A_89 = arith.muli %add3A_87, %mul3A_88 : i32
      %add3A_90 = arith.addi %mul3A_89, %add3A : i32
      %mul3A_91 = arith.constant 128 : i32
      %mul3A_92 = arith.muli %add3A_90, %mul3A_91 : i32
      %dma_start3A_93 = arith.constant 0 : i32
      %dma_start3A_94 = tpu.memref_slice %arg4[%mul3A_92, %dma_start3A_93] : memref<819200x128xf32, #tpu.memory_space<hbm>> -> memref<128x128xf32, #tpu.memory_space<hbm>>
      %dma_start3A_95 = arith.constant 0 : i32
      %dma_start3A_96 = tpu.memref_slice %arg4[%mul3A_92, %dma_start3A_95] : memref<819200x128xf32, #tpu.memory_space<hbm>> -> memref<128x128xf32, #tpu.memory_space<hbm>>
      tpu.enqueue_dma source(%arg7 : memref<128x128xf32, #tpu.memory_space<vmem>>) target(%dma_start3A_96 : memref<128x128xf32, #tpu.memory_space<hbm>>) target_semaphore(%arg15 : memref<!tpu.dma_semaphore, #tpu.memory_space<semaphore_mem>>)
      %gt3A_97 = arith.constant 0 : i32
      %gt3A_98 = arith.cmpi sgt, %scan3A_39, %gt3A_97 : i32
      %convert_element_type3A_99 = arith.extui %gt3A_98 : i1 to i32
      %cond3A_100 = arith.constant 0 : i32
      %cond3A_101 = arith.cmpi ne, %convert_element_type3A_99, %cond3A_100 : i32
      scf.if %cond3A_101 {
        %mul3A_156 = arith.constant 32 : i32
        %mul3A_157 = arith.muli %mul3A_41, %mul3A_156 : i32
        %add3A_158 = arith.addi %mul3A_157, %add3A : i32
        %mul3A_159 = arith.constant 128 : i32
        %mul3A_160 = arith.muli %add3A_158, %mul3A_159 : i32
        %dma_wait3A_161 = arith.constant 0 : i32
        %dma_wait3A_162 = tpu.memref_slice %arg4[%mul3A_160, %dma_wait3A_161] : memref<819200x128xf32, #tpu.memory_space<hbm>> -> memref<128x128xf32, #tpu.memory_space<hbm>>
        %dma_wait3A_163 = arith.constant 0 : i32
        %dma_wait3A_164 = tpu.memref_slice %arg4[%mul3A_160, %dma_wait3A_163] : memref<819200x128xf32, #tpu.memory_space<hbm>> -> memref<128x128xf32, #tpu.memory_space<hbm>>
        tpu.wait_dma2 semaphore(%arg16 : memref<!tpu.dma_semaphore, #tpu.memory_space<semaphore_mem>>) src(%arg8 : memref<128x128xf32, #tpu.memory_space<vmem>>) dst(%dma_wait3A_164 : memref<128x128xf32, #tpu.memory_space<hbm>>)
        %mul3A_165 = arith.constant 32 : i32
        %mul3A_166 = arith.muli %mul3A_41, %mul3A_165 : i32
        %add3A_167 = arith.addi %mul3A_166, %add3A : i32
        %mul3A_168 = arith.constant 128 : i32
        %mul3A_169 = arith.muli %add3A_167, %mul3A_168 : i32
        %dma_wait3A_170 = arith.constant 0 : i32
        %dma_wait3A_171 = tpu.memref_slice %arg4[%mul3A_169, %dma_wait3A_170] : memref<819200x128xf32, #tpu.memory_space<hbm>> -> memref<128x128xf32, #tpu.memory_space<hbm>>
        %dma_wait3A_172 = arith.constant 0 : i32
        %dma_wait3A_173 = tpu.memref_slice %arg4[%mul3A_169, %dma_wait3A_172] : memref<819200x128xf32, #tpu.memory_space<hbm>> -> memref<128x128xf32, #tpu.memory_space<hbm>>
        tpu.wait_dma2 semaphore(%arg17 : memref<!tpu.dma_semaphore, #tpu.memory_space<semaphore_mem>>) src(%arg9 : memref<128x128xf32, #tpu.memory_space<vmem>>) dst(%dma_wait3A_173 : memref<128x128xf32, #tpu.memory_space<hbm>>)
      } else {
      }
      %add3A_102 = arith.constant 2 : i32
      %add3A_103 = arith.addi %mul3A_41, %add3A_102 : i32
      %dma_start3A_104 = arith.constant 0 : i32
      %dma_start3A_105 = tpu.memref_slice %arg5[%add3A_103, %dma_start3A_104] : memref<200x128xi32, #tpu.memory_space<vmem>> -> memref<1x128xi32, #tpu.memory_space<vmem>>
      %dma_start3A_106 = tpu.memref_squeeze %dma_start3A_105 : memref<1x128xi32, #tpu.memory_space<vmem>> -> memref<128xi32, #tpu.memory_space<vmem>>
      %dma_start3A_107 = arith.constant 0 : i32
      %dma_start3A_108 = arith.constant 0 : i32
      %dma_start3A_109 = tpu.memref_slice %arg3[%dma_start3A_107, %dma_start3A_108] : memref<100000x128xf32, #tpu.memory_space<hbm>> -> memref<100000x128xf32, #tpu.memory_space<hbm>>
      tpu.enqueue_indirect_dma source(%dma_start3A_109 : memref<100000x128xf32, #tpu.memory_space<hbm>>) target(%arg8 : memref<128x128xf32, #tpu.memory_space<vmem>>) offsets(%dma_start3A_106 : memref<128xi32, #tpu.memory_space<vmem>>) semaphore(%arg12 : memref<!tpu.dma_semaphore, #tpu.memory_space<semaphore_mem>>)
      %add3A_110 = arith.constant 3 : i32
      %add3A_111 = arith.addi %mul3A_41, %add3A_110 : i32
      %dma_start3A_112 = arith.constant 0 : i32
      %dma_start3A_113 = tpu.memref_slice %arg5[%add3A_111, %dma_start3A_112] : memref<200x128xi32, #tpu.memory_space<vmem>> -> memref<1x128xi32, #tpu.memory_space<vmem>>
      %dma_start3A_114 = tpu.memref_squeeze %dma_start3A_113 : memref<1x128xi32, #tpu.memory_space<vmem>> -> memref<128xi32, #tpu.memory_space<vmem>>
      %dma_start3A_115 = arith.constant 0 : i32
      %dma_start3A_116 = arith.constant 0 : i32
      %dma_start3A_117 = tpu.memref_slice %arg3[%dma_start3A_115, %dma_start3A_116] : memref<100000x128xf32, #tpu.memory_space<hbm>> -> memref<100000x128xf32, #tpu.memory_space<hbm>>
      tpu.enqueue_indirect_dma source(%dma_start3A_117 : memref<100000x128xf32, #tpu.memory_space<hbm>>) target(%arg9 : memref<128x128xf32, #tpu.memory_space<vmem>>) offsets(%dma_start3A_114 : memref<128xi32, #tpu.memory_space<vmem>>) semaphore(%arg13 : memref<!tpu.dma_semaphore, #tpu.memory_space<semaphore_mem>>)
      %add3A_118 = arith.constant 2 : i32
      %add3A_119 = arith.addi %mul3A_41, %add3A_118 : i32
      %dma_wait3A_120 = arith.constant 0 : i32
      %dma_wait3A_121 = tpu.memref_slice %arg5[%add3A_119, %dma_wait3A_120] : memref<200x128xi32, #tpu.memory_space<vmem>> -> memref<1x128xi32, #tpu.memory_space<vmem>>
      %dma_wait3A_122 = tpu.memref_squeeze %dma_wait3A_121 : memref<1x128xi32, #tpu.memory_space<vmem>> -> memref<128xi32, #tpu.memory_space<vmem>>
      %dma_wait3A_123 = arith.constant 0 : i32
      %dma_wait3A_124 = arith.constant 0 : i32
      %dma_wait3A_125 = tpu.memref_slice %arg3[%dma_wait3A_123, %dma_wait3A_124] : memref<100000x128xf32, #tpu.memory_space<hbm>> -> memref<100000x128xf32, #tpu.memory_space<hbm>>
      tpu.wait_indirect_dma semaphore(%arg12 : memref<!tpu.dma_semaphore, #tpu.memory_space<semaphore_mem>>) src(%dma_wait3A_125 : memref<100000x128xf32, #tpu.memory_space<hbm>>) dst(%arg8 : memref<128x128xf32, #tpu.memory_space<vmem>>)
      %add3A_126 = arith.constant 2 : i32
      %add3A_127 = arith.addi %mul3A_41, %add3A_126 : i32
      %mul3A_128 = arith.constant 32 : i32
      %mul3A_129 = arith.muli %add3A_127, %mul3A_128 : i32
      %add3A_130 = arith.addi %mul3A_129, %add3A : i32
      %mul3A_131 = arith.constant 128 : i32
      %mul3A_132 = arith.muli %add3A_130, %mul3A_131 : i32
      %dma_start3A_133 = arith.constant 0 : i32
      %dma_start3A_134 = tpu.memref_slice %arg4[%mul3A_132, %dma_start3A_133] : memref<819200x128xf32, #tpu.memory_space<hbm>> -> memref<128x128xf32, #tpu.memory_space<hbm>>
      %dma_start3A_135 = arith.constant 0 : i32
      %dma_start3A_136 = tpu.memref_slice %arg4[%mul3A_132, %dma_start3A_135] : memref<819200x128xf32, #tpu.memory_space<hbm>> -> memref<128x128xf32, #tpu.memory_space<hbm>>
      tpu.enqueue_dma source(%arg8 : memref<128x128xf32, #tpu.memory_space<vmem>>) target(%dma_start3A_136 : memref<128x128xf32, #tpu.memory_space<hbm>>) target_semaphore(%arg16 : memref<!tpu.dma_semaphore, #tpu.memory_space<semaphore_mem>>)
      %add3A_137 = arith.constant 3 : i32
      %add3A_138 = arith.addi %mul3A_41, %add3A_137 : i32
      %dma_wait3A_139 = arith.constant 0 : i32
      %dma_wait3A_140 = tpu.memref_slice %arg5[%add3A_138, %dma_wait3A_139] : memref<200x128xi32, #tpu.memory_space<vmem>> -> memref<1x128xi32, #tpu.memory_space<vmem>>
      %dma_wait3A_141 = tpu.memref_squeeze %dma_wait3A_140 : memref<1x128xi32, #tpu.memory_space<vmem>> -> memref<128xi32, #tpu.memory_space<vmem>>
      %dma_wait3A_142 = arith.constant 0 : i32
      %dma_wait3A_143 = arith.constant 0 : i32
      %dma_wait3A_144 = tpu.memref_slice %arg3[%dma_wait3A_142, %dma_wait3A_143] : memref<100000x128xf32, #tpu.memory_space<hbm>> -> memref<100000x128xf32, #tpu.memory_space<hbm>>
      tpu.wait_indirect_dma semaphore(%arg13 : memref<!tpu.dma_semaphore, #tpu.memory_space<semaphore_mem>>) src(%dma_wait3A_144 : memref<100000x128xf32, #tpu.memory_space<hbm>>) dst(%arg9 : memref<128x128xf32, #tpu.memory_space<vmem>>)
      %add3A_145 = arith.constant 3 : i32
      %add3A_146 = arith.addi %mul3A_41, %add3A_145 : i32
      %mul3A_147 = arith.constant 32 : i32
      %mul3A_148 = arith.muli %add3A_146, %mul3A_147 : i32
      %add3A_149 = arith.addi %mul3A_148, %add3A : i32
      %mul3A_150 = arith.constant 128 : i32
      %mul3A_151 = arith.muli %add3A_149, %mul3A_150 : i32
      %dma_start3A_152 = arith.constant 0 : i32
      %dma_start3A_153 = tpu.memref_slice %arg4[%mul3A_151, %dma_start3A_152] : memref<819200x128xf32, #tpu.memory_space<hbm>> -> memref<128x128xf32, #tpu.memory_space<hbm>>
      %dma_start3A_154 = arith.constant 0 : i32
      %dma_start3A_155 = tpu.memref_slice %arg4[%mul3A_151, %dma_start3A_154] : memref<819200x128xf32, #tpu.memory_space<hbm>> -> memref<128x128xf32, #tpu.memory_space<hbm>>
      tpu.enqueue_dma source(%arg9 : memref<128x128xf32, #tpu.memory_space<vmem>>) target(%dma_start3A_155 : memref<128x128xf32, #tpu.memory_space<hbm>>) target_semaphore(%arg17 : memref<!tpu.dma_semaphore, #tpu.memory_space<semaphore_mem>>)
    }
    %scan3A_7 = arith.constant 50 : i32
    %add3A_8 = arith.constant 6272 : i32
    %add3A_9 = arith.addi %add3A_8, %add3A : i32
    %mul3A_10 = arith.constant 128 : i32
    %mul3A_11 = arith.muli %add3A_9, %mul3A_10 : i32
    %dma_wait3A = arith.constant 0 : i32
    %dma_wait3A_12 = tpu.memref_slice %arg4[%mul3A_11, %dma_wait3A] : memref<819200x128xf32, #tpu.memory_space<hbm>> -> memref<128x128xf32, #tpu.memory_space<hbm>>
    %dma_wait3A_13 = arith.constant 0 : i32
    %dma_wait3A_14 = tpu.memref_slice %arg4[%mul3A_11, %dma_wait3A_13] : memref<819200x128xf32, #tpu.memory_space<hbm>> -> memref<128x128xf32, #tpu.memory_space<hbm>>
    tpu.wait_dma2 semaphore(%arg14 : memref<!tpu.dma_semaphore, #tpu.memory_space<semaphore_mem>>) src(%arg6 : memref<128x128xf32, #tpu.memory_space<vmem>>) dst(%dma_wait3A_14 : memref<128x128xf32, #tpu.memory_space<hbm>>)
    %add3A_15 = arith.constant 6304 : i32
    %add3A_16 = arith.addi %add3A_15, %add3A : i32
    %mul3A_17 = arith.constant 128 : i32
    %mul3A_18 = arith.muli %add3A_16, %mul3A_17 : i32
    %dma_wait3A_19 = arith.constant 0 : i32
    %dma_wait3A_20 = tpu.memref_slice %arg4[%mul3A_18, %dma_wait3A_19] : memref<819200x128xf32, #tpu.memory_space<hbm>> -> memref<128x128xf32, #tpu.memory_space<hbm>>
    %dma_wait3A_21 = arith.constant 0 : i32
    %dma_wait3A_22 = tpu.memref_slice %arg4[%mul3A_18, %dma_wait3A_21] : memref<819200x128xf32, #tpu.memory_space<hbm>> -> memref<128x128xf32, #tpu.memory_space<hbm>>
    tpu.wait_dma2 semaphore(%arg15 : memref<!tpu.dma_semaphore, #tpu.memory_space<semaphore_mem>>) src(%arg7 : memref<128x128xf32, #tpu.memory_space<vmem>>) dst(%dma_wait3A_22 : memref<128x128xf32, #tpu.memory_space<hbm>>)
    %add3A_23 = arith.constant 6336 : i32
    %add3A_24 = arith.addi %add3A_23, %add3A : i32
    %mul3A_25 = arith.constant 128 : i32
    %mul3A_26 = arith.muli %add3A_24, %mul3A_25 : i32
    %dma_wait3A_27 = arith.constant 0 : i32
    %dma_wait3A_28 = tpu.memref_slice %arg4[%mul3A_26, %dma_wait3A_27] : memref<819200x128xf32, #tpu.memory_space<hbm>> -> memref<128x128xf32, #tpu.memory_space<hbm>>
    %dma_wait3A_29 = arith.constant 0 : i32
    %dma_wait3A_30 = tpu.memref_slice %arg4[%mul3A_26, %dma_wait3A_29] : memref<819200x128xf32, #tpu.memory_space<hbm>> -> memref<128x128xf32, #tpu.memory_space<hbm>>
    tpu.wait_dma2 semaphore(%arg16 : memref<!tpu.dma_semaphore, #tpu.memory_space<semaphore_mem>>) src(%arg8 : memref<128x128xf32, #tpu.memory_space<vmem>>) dst(%dma_wait3A_30 : memref<128x128xf32, #tpu.memory_space<hbm>>)
    %add3A_31 = arith.constant 6368 : i32
    %add3A_32 = arith.addi %add3A_31, %add3A : i32
    %mul3A_33 = arith.constant 128 : i32
    %mul3A_34 = arith.muli %add3A_32, %mul3A_33 : i32
    %dma_wait3A_35 = arith.constant 0 : i32
    %dma_wait3A_36 = tpu.memref_slice %arg4[%mul3A_34, %dma_wait3A_35] : memref<819200x128xf32, #tpu.memory_space<hbm>> -> memref<128x128xf32, #tpu.memory_space<hbm>>
    %dma_wait3A_37 = arith.constant 0 : i32
    %dma_wait3A_38 = tpu.memref_slice %arg4[%mul3A_34, %dma_wait3A_37] : memref<819200x128xf32, #tpu.memory_space<hbm>> -> memref<128x128xf32, #tpu.memory_space<hbm>>
    tpu.wait_dma2 semaphore(%arg17 : memref<!tpu.dma_semaphore, #tpu.memory_space<semaphore_mem>>) src(%arg9 : memref<128x128xf32, #tpu.memory_space<vmem>>) dst(%dma_wait3A_38 : memref<128x128xf32, #tpu.memory_space<hbm>>)
    return
  }
}

</mosaic_0001>

<sc_bundles>
// kernel: kernel.3.cloned.1.call-start
scs
__scs_entry_jumppad:
0x0: {  	(pc) =	sbr.rel $0x88, $3  }
0x1: {  	(tag) =	ssettag $0x0;
	lr =	simm.s32 $0x1  }
0x2: {  	[smem:$0x3F9F] =	sst lr;
	_ =	strace $0xD0000000  }
0x3: {  	_ = 	snop  }
0x4: {  	_ = 	snop  }
0x5: {  	_ = 	snop  }
0x6: {  	_ = 	snop  }
0x7: {  	_ = 	snop  }
__scs_overlays_trampoline_lowered:
0x8: {  	[smem:$0x3FAE] =	sst s0  }
0x9: {  	[smem:$0x3FAF] =	sst s1  }
0xa: {  	[smem:$0x3FB0] =	sst s2  }
0xb: {  	[smem:$0x3FB1] =	sst s3  }
0xc: {  	[smem:$0x3FB2] =	sst s4  }
0xd: {  	[smem:$0x3FB3] =	sst s5  }
0xe: {  	[smem:$0x3FB4] =	sst s6  }
0xf: {  	[smem:$0x3FB5] =	sst s7  }
0x10: {  	[smem:$0x3FB6] =	sst s8  }
0x11: {  	[smem:$0x3FB7] =	sst s9;
	s0 =	simm.s32 @!p0 $0x0  }
0x12: {  	s1 =	sld [smem:$0x3F9D];
	s0 =	simm.s32 @p0 $0x1  }
0x13: {  	[smem:$0x3FB8] =	sst s0;
	s0 =	simm.s32 @!p1 $0x0  }
0x14: {  	s2 =	sld [smem:$0x3F9C];
	s0 =	simm.s32 @p1 $0x1  }
0x15: {  	[smem:$0x3FB9] =	sst s0;
	s0 =	simm.s32 @!p2 $0x0  }
0x16: {  	s3 =	sld [smem:$0x3FDB];
	s0 =	simm.s32 @p2 $0x1  }
0x17: {  	s4 =	simm.s32 $0x1BF5;
	[smem:$0x3FBB] =	sst s0  }
0x18: {  	s0 =	sld [smem:$0x3F9E];
	_ =	swait.ge [sflag:s4], $0x0  }
0x19: {  	s7 =	sld [smem:$0x3F9F]  }
0x1a: {  	s8 =	sadd.s32 $0xFFFFE003, lr  }
0x1b: {  	s9 =	sadd.s32 $0xFFFFFEF7, lr;
	s5 =	simm.s32 $0xFFFFFFFF;
	p2 =	slt.u32 s8, $0xFFFFF086  }
0x1c: {  	p1 =	slt.u32 s9, $0xF7A;
	s5 =	simm.s32 @!p2 $0x0  }
0x1d: {  	s5 =	simm.s32 @p1 $0x1;
	p0 =	seq.s32 s7, s2  }
0x1e: {  	s7 =	smul.u32 @!p0 $0xF7A, s2;
	p2 =	seq.s32 @!p0 s5, $0x0  }
0x1f: {  	s9 =	smul.u32 $0xF7A, s1;
	s8 =	simm.s32 @!p0 $0x1BF5;
	p2 =	por !p2, p0  }
0x20: {  	[sflag:s8] =	ssyncset.s32 @!p0 $0xFFFFF086;
	s6 =	sadd.s32 @!p0 s3, s7;
	s7 =	simm.s32 @!p0 $0x108  }
0x21: {  	s3 =	sadd.s32 s3, s9;
	s6 =	sadd.s32 @!p0 $0x88, s6;
	s7 =	simm.s32 @p2 $0x1082  }
0x22: {  	[simem:s7], [sflag:s8] =	dma.local @!p0 [hbm:s6], $0xF7A  }
0x23: {  	s9 =	sor.u32 $0xD0000000, s2;
	s6 =	simm.s32 $0x108;
	_ =	swait.ge @!p0 [sflag:s8], $0x0  }
0x24: {  	s3 =	sadd.s32 $0x88, s3;
	s6 =	simm.s32 @!p1 $0x1082;
	[sflag:s4] =	ssyncset.s32 $0xFFFFF086  }
0x25: {  	[simem:s6], [sflag:s4] =	dma.local [hbm:s3], $0xF7A  }
0x26: {  	[smem:$0x3F9F] =	sst s1;
	(tag) =	ssettag s2;
	_ =	strace s9  }
0x27: {  	s1 =	sld [smem:$0x3FAF]  }
0x28: {  	s2 =	sld [smem:$0x3FB0]  }
0x29: {  	s4 =	sld [smem:$0x3FB2]  }
0x2a: {  	p0 =	seq.s32 s5, $0x0;
	s5 =	sld [smem:$0x3FB3]  }
0x2b: {  	s6 =	sld [smem:$0x3FB4]  }
0x2c: {  	s7 =	sld [smem:$0x3FB5]  }
0x2d: {  	s3 =	simm.s32 $0x108;
	s8 =	sld [smem:$0x3FB6]  }
0x2e: {  	s3 =	simm.s32 @!p0 $0x1082;
	s9 =	sld [smem:$0x3FB7]  }
0x2f: {  	lr =	sadd.s32 s0, s3;
	s0 =	sld [smem:$0x3FAE]  }
0x30: {  	s3 =	sld [smem:$0x3FB1]  }
0x31: {  	[smem:$0x3FBA] =	sst s10  }
0x32: {  	s10 =	sld [smem:$0x3FB8];
	_ =	sdelay $0x3  }
0x33: {  	p0 =	seq.s32 s10, $0x1;
	s10 =	sld [smem:$0x3FBA];
	_ =	sdelay $0x3  }
0x34: {  	[smem:$0x3FBA] =	sst s10  }
0x35: {  	s10 =	sld [smem:$0x3FB9];
	_ =	sdelay $0x3  }
0x36: {  	p1 =	seq.s32 s10, $0x1;
	s10 =	sld [smem:$0x3FBA];
	_ =	sdelay $0x3  }
0x37: {  	[smem:$0x3FBA] =	sst s10  }
0x38: {  	s10 =	sld [smem:$0x3FBB]  }
0x39: {  	_ = 	snop;
	(pc) =	sbr.ind lr, $3  }
0x3a: {  	_ = 	snop  }
0x3b: {  	_ = 	snop  }
0x3c: {  	p2 =	seq.s32 s10, $0x1;
	s10 =	sld [smem:$0x3FBA]  }
0x3d: {  	_ =	shalt  }
0x3e: {  	_ =	shalt  }
0x3f: {  	_ =	shalt  }
0x40: {  	_ =	shalt  }
0x41: {  	_ =	shalt  }
0x42: {  	_ =	shalt  }
0x43: {  	_ =	shalt  }
0x44: {  	_ =	shalt  }
0x45: {  	_ =	shalt  }
0x46: {  	_ =	shalt  }
0x47: {  	_ =	shalt  }
0x48: {  	_ =	shalt  }
0x49: {  	_ =	shalt  }
0x4a: {  	_ =	shalt  }
0x4b: {  	_ =	shalt  }
0x4c: {  	_ =	shalt  }
0x4d: {  	_ =	shalt  }
0x4e: {  	_ =	shalt  }
0x4f: {  	_ =	shalt  }
0x50: {  	_ =	shalt  }
0x51: {  	_ =	shalt  }
0x52: {  	_ =	shalt  }
0x53: {  	_ =	shalt  }
0x54: {  	_ =	shalt  }
0x55: {  	_ =	shalt  }
0x56: {  	_ =	shalt  }
0x57: {  	_ =	shalt  }
0x58: {  	_ =	shalt  }
0x59: {  	_ =	shalt  }
0x5a: {  	_ =	shalt  }
0x5b: {  	_ =	shalt  }
0x5c: {  	_ =	shalt  }
0x5d: {  	_ =	shalt  }
0x5e: {  	_ =	shalt  }
0x5f: {  	_ =	shalt  }
0x60: {  	_ =	shalt  }
0x61: {  	_ =	shalt  }
0x62: {  	_ =	shalt  }
0x63: {  	_ =	shalt  }
0x64: {  	_ =	shalt  }
0x65: {  	_ =	shalt  }
0x66: {  	_ =	shalt  }
0x67: {  	_ =	shalt  }
0x68: {  	_ =	shalt  }
0x69: {  	_ =	shalt  }
0x6a: {  	_ =	shalt  }
0x6b: {  	_ =	shalt  }
0x6c: {  	_ =	shalt  }
0x6d: {  	_ =	shalt  }
0x6e: {  	_ =	shalt  }
0x6f: {  	_ =	shalt  }
0x70: {  	_ =	shalt  }
0x71: {  	_ =	shalt  }
0x72: {  	_ =	shalt  }
0x73: {  	_ =	shalt  }
0x74: {  	_ =	shalt  }
0x75: {  	_ =	shalt  }
0x76: {  	_ =	shalt  }
0x77: {  	_ =	shalt  }
0x78: {  	_ =	shalt  }
0x79: {  	_ =	shalt  }
0x7a: {  	_ =	shalt  }
0x7b: {  	_ =	shalt  }
0x7c: {  	_ =	shalt  }
0x7d: {  	_ =	shalt  }
0x7e: {  	_ =	shalt  }
0x7f: {  	_ =	shalt  }
0x80: {  	_ =	shalt  }
0x81: {  	_ =	shalt  }
0x82: {  	_ =	shalt  }
0x83: {  	_ =	shalt  }
0x84: {  	_ =	shalt  }
0x85: {  	_ =	shalt  }
0x86: {  	_ =	shalt  }
0x87: {  	_ =	shalt  }
.Lfunc_end0:
.L_simem_size_0:
called_computation_lowered:
.L_overlay_start_0:
0x88: {  	s2 =	sld [smem:$0x3FD9]  }
0x89: {  	s3 =	sld [smem:$0x3FFE];
	_ =	sdelay $0x1  }
0x8a: {  	s1 =	srdreg.scid  }
0x8b: {  	s0 =	sand.u32 $0x1, s1  }
0x8c: {  	s17 =	sshll.u32 s0, $0xA;
	s2 =	sadd.s32 s3, s2  }
0x8d: {  	s2 =	sadd.s32 s2, s17  }
0x8e: {  	[smem:$0x3FC6] =	sst s2  }
0x8f: {  	_ = 	snop  }
0x90: {  	s2 =	sld [smem:$0x3FC8]  }
0x91: {  	s18 =	sld [smem:$0x3FD0];
	(tm) =	ssettm $0x1  }
0x92: {  	s4 =	sld [smem:$0x3FFB];
	_ =	sdelay $0x3  }
0x93: {  	_ =	strace s4  }
0x94: {  	s4 =	sld [smem:$0x3FFC];
	_ =	sdelay $0x3  }
0x95: {  	_ =	strace s4  }
0x96: {  	s4 =	sld [smem:$0x3FFD];
	_ =	sdelay $0x3  }
0x97: {  	_ =	strace s4  }
0x98: {  	_ =	strace $0x8FFFFFFF  }
0x99: {  	s19 =	sld [smem:$0x3FDB];
	_ =	sdelay $0x1  }
0x9a: {  	s5 =	simm.s32 $_scs_section_size  }
0x9b: {  	s6 =	simm.s32 $_size__tile_overlayer_lowered;
	s7 =	simm.s32 $_tile_overlayer_lowered  }
0x9c: {  	s22 =	simm.s32 $0x1BFF;
	s21 =	sshll.u32 s7, $0x1;
	s4 =	sadd.s32 s5, s19  }
0x9d: {  	s8 =	simm.s32 $0x0;
	s20 =	sshll.u32 s6, $0x1;
	s6 =	sadd.s32 s21, s4  }
0x9e: {  	[timem:s8], [sflag:s22] =	dma.local [hbm:s6], s20  }
0x9f: {  	_ =	swait.ge [sflag:s22], s20  }
0xa0: {  	s5 =	ssub.s32 $0x0, s20;
	[sflag:s22] =	ssyncset.done $0x0  }
0xa1: {  	[sflag:s22] =	ssyncadd.s32 s5;
	_ =	sdelay $0x1  }
0xa2: {  	s23 =	simm.s32 $0x1B8B  }
0xa3: {  	_ =	swait.ge [sflag:s23], $0x1  }
0xa4: {  	[sflag:s23] =	ssyncset.done $0x0  }
0xa5: {  	s25 =	simm.s32 $0x1B8E;
	s24 =	sld [smem:$0x3FFE];
	[sflag:s23] =	ssyncadd.s32 $0xFFFFFFFF  }
0xa6: {  	s26 =	simm.s32 $execute0_lowered;
	[smem:$0x3FD2] =	sst s25  }
0xa7: {  	s6 =	sshll.u32 s26, $0x1;
	_ =	strace $0x80000046;
	[dreg:$0x1] =	wrdreg $0xFFFFFFFF  }
0xa8: {  	s28 =	simm.s32 $_size_execute0_lowered;
	s4 =	sadd.s32 s4, s6;
	[dreg:$0x0] =	wrdreg $0x0  }
0xa9: {  	s6 =	sshll.u32 s28, $0x1;
	[dreg:$0x2] =	wrdreg s4  }
0xaa: {  	[dreg:$0x3] =	wrdreg s6  }
0xab: {  	[dreg:$0x4] =	wrdreg $0xC0  }
0xac: {  	_ =	task [dreg:s8], $0x5FFFF  }
0xad: {  	[dreg:$0x1] =	wrdreg $0xFFFFFFFF  }
0xae: {  	[dreg:$0x0] =	wrdreg $0x60  }
0xaf: {  	[dreg:$0x2] =	wrdreg s24  }
0xb0: {  	[dreg:$0x3] =	wrdreg s2  }
0xb1: {  	[dreg:$0x4] =	wrdreg s18  }
0xb2: {  	[dreg:$0x5] =	wrdreg $0x9  }
0xb3: {  	_ =	task.clear_ibuf [dreg:s8], $0x6FFFF;
	_ =	strace $0x90000046  }
0xb4: {  	s29 =	simm.s32 $0x9;
	_ =	strace $0x80000048  }
0xb5: {  	_ =	swait.ge [sflag:s29], $0x1  }
0xb6: {  	[sflag:s29] =	ssyncadd.s32 $0xFFFFFFFF  }
0xb7: {  	_ =	strace $0x90000048  }
0xb8: {  	_ =	sfence  }
0xb9: {  	s30 =	sld [smem:$0x0];
	_ =	sdelay $0x2  }
0xba: {  	s31 =	sshll.u32 s1, $0xD;
	s1 =	sshrl.u32 s1, $0x2  }
0xbb: {  	s3 =	sand.u32 $0x4000, s31;
	s1 =	sadd.s32 s1, s30  }
0xbc: {  	s0 =	sor.u32 s3, s0;
	s1 =	sshll.u32 s1, $0x11  }
0xbd: {  	s0 =	sor.u32 s1, s0  }
0xbe: {  	s0 =	sadd.s32 $0x8F2B, s0  }
0xbf: {  	[sflag:s0] =	ssyncadd.remote.s32 $0x1  }
0xc0: {  	_ =	sfence.sel $0xFFFF  }
0xc1: {  	[dreg:$0x0] =	wrdreg $0xFFFFFFFF;
	(pc) =	sbr.abs _section_cstart, $3  }
0xc2: {  	[dreg:$0x1] =	wrdreg $0xFFFFFFFF  }
0xc3: {  	_ =	task.clear_ibuf [dreg:s8], $0x2FFFF;
	_ =	strace $0x9FFFFFFF  }
0xc4: {  	(tm) =	ssettm $0x7FFFFFFF  }
0xc5: {  	_ =	shalt  }
tec
execute0_lowered:
.L_overlay_start_1:
0x0: {  	(tag) =	ssettag $0x1  }
0x1: {  	s4 =	rddreg [dreg:$0x0]  }
0x2: {  	s2 =	rddreg [dreg:$0x1];
	s1 =	srdreg.scid  }
0x3: {  	s0 =	stileid.u32;
	s10 =	rddreg [dreg:$0x2]  }
0x4: {  	s3 =	simm.s32 $0x0;
	s13 =	simm.s32 $0x6400;
	s14 =	simm.s32 $0xA400  }
0x5: {  	s15 =	simm.s32 $0x1;
	s16 =	simm.s32 $0x2;
	s17 =	simm.s32 $0x100  }
0x6: {  	s18 =	simm.s32 $0xE400;
	s19 =	simm.s32 $0x180;
	s20 =	simm.s32 $0x12400  }
0x7: {  	s21 =	simm.s32 $0x3;
	s22 =	simm.s32 $0x4;
	s23 =	simm.s32 $0x5  }
0x8: {  	s24 =	simm.s32 $0x6;
	s25 =	simm.s32 $0x7;
	s26 =	simm.s32 $0x8  }
0x9: {  	s28 =	simm.s32 $0x0;
	s11 =	sand.u32 $0x1, s1;
	s5 =	sshll.u32 s0, $0x1  }
0xa: {  	[smem:$0x7FF] =	sst s3;
	s12 =	sshll.u32 s0, $0xC;
	s5 =	sor.u32 s11, s5  }
0xb: {  	s7 =	ssub.s32 $0x2, s11;
	_ =	strace $0x80000047;
	s11 =	sshll.u32 s11, $0xB  }
0xc: {  	s6 =	smul.u32 $0xC80, s5;
	s8 =	sshrl.u32 s7, $0x1;
	s5 =	sshll.u32 s5, $0xB  }
0xd: {  	s31 =	ssub.s32 s7, s8;
	s5 =	sadd.s32 s10, s5;
	s10 =	sadd.s32 s12, s10  }
0xe: {  	s12 =	simm.s32 $0x80;
	s4 =	sadd.s32 s6, s4;
	s6 =	smax.u32 s31, $0x1  }
0xf: {  	s7 =	sadd.s32 $0x10000, s5;
	s8 =	sadd.s32 $0x20000, s5;
	s9 =	sadd.s32 $0x30000, s5  }
0x10: {  	s10 =	sadd.s32 s11, s10;
	s11 =	simm.s32 $0x9;
	s4 =	sadd.s32 $0x400, s4  }
.LBB2_1:
0x11: {  	[tilespmem:s3], [sflag:$0x9] =	stream.linear.gather [hbm4b:s4+s3], $0x6400, $0x38;
	[tilespmem:$0x16400] =	vst v63  }
0x12: {  	_ =	swait.ge [sflag:s11], $0x6400  }
0x13: {  	[sflag:s11] =	ssyncset.done $0x0  }
0x14: {  	[sflag:s11] =	ssyncadd.s32 $0xFFFF9C00  }
0x15: {  	[tilespmem:s13], [sflag:$0x1] =	stream.indirect.gather [hbm4b:s2+s12], $0x80, s3, s12, $0xb8;
	[tilespmem:$0x16400] =	vst v63  }
0x16: {  	_ = 	snop  }
0x17: {  	[tilespmem:s14], [sflag:$0x2] =	stream.indirect.gather [hbm4b:s2+s12], $0x80, s12, s12, $0xb8;
	[tilespmem:$0x16400] =	vst v63  }
0x18: {  	_ =	swait.ge [sflag:s15], $0x4000  }
0x19: {  	[sflag:s15] =	ssyncset.done $0x0  }
0x1a: {  	[sflag:s15] =	ssyncadd.s32 $0xFFFFC000  }
0x1b: {  	[hbm4b:s5+s3] =	stream.linear.scatter [tilespmem:s13], [sflag:$0x5], $0x4000, $0x38;
	[tilespmem:$0x16400] =	vst v63  }
0x1c: {  	_ =	swait.ge [sflag:s16], $0x4000  }
0x1d: {  	[sflag:s16] =	ssyncset.done $0x0  }
0x1e: {  	[sflag:s16] =	ssyncadd.s32 $0xFFFFC000  }
0x1f: {  	[hbm4b:s7+s3] =	stream.linear.scatter [tilespmem:s14], [sflag:$0x6], $0x4000, $0x38;
	[tilespmem:$0x16400] =	vst v63  }
0x20: {  	_ = 	snop  }
0x21: {  	[tilespmem:s18], [sflag:$0x3] =	stream.indirect.gather [hbm4b:s2+s12], $0x80, s17, s12, $0xb8;
	[tilespmem:$0x16400] =	vst v63  }
0x22: {  	_ = 	snop  }
0x23: {  	[tilespmem:s20], [sflag:$0x4] =	stream.indirect.gather [hbm4b:s2+s12], $0x80, s19, s12, $0xb8;
	[tilespmem:$0x16400] =	vst v63  }
0x24: {  	_ =	swait.ge [sflag:s21], $0x4000  }
0x25: {  	[sflag:s21] =	ssyncset.done $0x0  }
0x26: {  	[sflag:s21] =	ssyncadd.s32 $0xFFFFC000  }
0x27: {  	[hbm4b:s8+s3] =	stream.linear.scatter [tilespmem:s18], [sflag:$0x7], $0x4000, $0x38;
	[tilespmem:$0x16400] =	vst v63  }
0x28: {  	_ =	swait.ge [sflag:s22], $0x4000  }
0x29: {  	[sflag:s22] =	ssyncset.done $0x0  }
0x2a: {  	[sflag:s22] =	ssyncadd.s32 $0xFFFFC000  }
0x2b: {  	[hbm4b:s9+s3] =	stream.linear.scatter [tilespmem:s20], [sflag:$0x8], $0x4000, $0x38;
	[tilespmem:$0x16400] =	vst v63  }
0x2c: {  	_ =	swait.ge [sflag:s23], $0x4000  }
0x2d: {  	[sflag:s23] =	ssyncset.done $0x0  }
0x2e: {  	[sflag:s23] =	ssyncadd.s32 $0xFFFFC000  }
0x2f: {  	_ =	swait.ge [sflag:s24], $0x4000  }
0x30: {  	[sflag:s24] =	ssyncset.done $0x0  }
0x31: {  	s29 =	simm.s32 $0x200;
	[sflag:s24] =	ssyncadd.s32 $0xFFFFC000  }
0x32: {  	[tilespmem:s13], [sflag:$0x1] =	stream.indirect.gather [hbm4b:s2+s12], $0x80, s29, s12, $0xb8;
	[tilespmem:$0x16400] =	vst v63  }
0x33: {  	s29 =	simm.s32 $0x280  }
0x34: {  	[tilespmem:s14], [sflag:$0x2] =	stream.indirect.gather [hbm4b:s2+s12], $0x80, s29, s12, $0xb8;
	[tilespmem:$0x16400] =	vst v63  }
0x35: {  	_ =	swait.ge [sflag:s15], $0x4000  }
0x36: {  	s30 =	sadd.s32 $0x0, s10;
	[sflag:s15] =	ssyncset.done $0x0  }
0x37: {  	s29 =	sadd.s32 $0x40000, s30;
	[sflag:s15] =	ssyncadd.s32 $0xFFFFC000  }
0x38: {  	[hbm4b:s29+s3] =	stream.linear.scatter [tilespmem:s13], [sflag:$0x5], $0x4000, $0x38;
	[tilespmem:$0x16400] =	vst v63  }
0x39: {  	_ =	swait.ge [sflag:s16], $0x4000  }
0x3a: {  	[sflag:s16] =	ssyncset.done $0x0  }
0x3b: {  	s29 =	sadd.s32 $0x50000, s30;
	[sflag:s16] =	ssyncadd.s32 $0xFFFFC000  }
0x3c: {  	[hbm4b:s29+s3] =	stream.linear.scatter [tilespmem:s14], [sflag:$0x6], $0x4000, $0x38;
	[tilespmem:$0x16400] =	vst v63  }
0x3d: {  	_ =	swait.ge [sflag:s25], $0x4000  }
0x3e: {  	[sflag:s25] =	ssyncset.done $0x0  }
0x3f: {  	[sflag:s25] =	ssyncadd.s32 $0xFFFFC000  }
0x40: {  	_ =	swait.ge [sflag:s26], $0x4000  }
0x41: {  	[sflag:s26] =	ssyncset.done $0x0  }
0x42: {  	s29 =	simm.s32 $0x300;
	[sflag:s26] =	ssyncadd.s32 $0xFFFFC000  }
0x43: {  	[tilespmem:s18], [sflag:$0x3] =	stream.indirect.gather [hbm4b:s2+s12], $0x80, s29, s12, $0xb8;
	[tilespmem:$0x16400] =	vst v63  }
0x44: {  	s29 =	simm.s32 $0x380  }
0x45: {  	[tilespmem:s20], [sflag:$0x4] =	stream.indirect.gather [hbm4b:s2+s12], $0x80, s29, s12, $0xb8;
	[tilespmem:$0x16400] =	vst v63  }
0x46: {  	_ =	swait.ge [sflag:s21], $0x4000  }
0x47: {  	[sflag:s21] =	ssyncset.done $0x0  }
0x48: {  	s29 =	sadd.s32 $0x60000, s30;
	[sflag:s21] =	ssyncadd.s32 $0xFFFFC000  }
0x49: {  	[hbm4b:s29+s3] =	stream.linear.scatter [tilespmem:s18], [sflag:$0x7], $0x4000, $0x38;
	[tilespmem:$0x16400] =	vst v63  }
0x4a: {  	_ =	swait.ge [sflag:s22], $0x4000  }
0x4b: {  	s31 =	sadd.s32 $0x70000, s30;
	[sflag:s22] =	ssyncset.done $0x0  }
0x4c: {  	s30 =	simm.s32 $0x400;
	s29 =	simm.s32 $0x40000;
	[sflag:s22] =	ssyncadd.s32 $0xFFFFC000  }
.LBB2_2:
0x4d: {  	[hbm4b:s31+s3] =	stream.linear.scatter [tilespmem:s20], [sflag:$0x8], $0x4000, $0x38;
	[tilespmem:$0x16400] =	vst v63  }
0x4e: {  	s31 =	smov.u32 s29  }
0x4f: {  	p0 =	sne.s32 s29, $0xC00000;
	s29 =	sadd.s32 $0x40000, s29;
	_ =	swait.ge [sflag:s23], $0x4000  }
0x50: {  	[sflag:s23] =	ssyncset.done $0x0  }
0x51: {  	[sflag:s23] =	ssyncadd.s32 $0xFFFFC000  }
0x52: {  	_ =	swait.ge [sflag:s24], $0x4000  }
0x53: {  	[sflag:s24] =	ssyncset.done $0x0  }
0x54: {  	[sflag:s24] =	ssyncadd.s32 $0xFFFFC000  }
0x55: {  	[tilespmem:s13], [sflag:$0x1] =	stream.indirect.gather [hbm4b:s2+s12], $0x80, s30, s12, $0xb8;
	[tilespmem:$0x16400] =	vst v63  }
0x56: {  	s1 =	sadd.s32 $0x80, s30  }
0x57: {  	[tilespmem:s14], [sflag:$0x2] =	stream.indirect.gather [hbm4b:s2+s12], $0x80, s1, s12, $0xb8;
	[tilespmem:$0x16400] =	vst v63  }
0x58: {  	_ =	swait.ge [sflag:s15], $0x4000  }
0x59: {  	s1 =	sadd.s32 s31, s10;
	[sflag:s15] =	ssyncset.done $0x0  }
0x5a: {  	s31 =	sadd.s32 $0x40000, s1;
	[sflag:s15] =	ssyncadd.s32 $0xFFFFC000  }
0x5b: {  	[hbm4b:s31+s3] =	stream.linear.scatter [tilespmem:s13], [sflag:$0x5], $0x4000, $0x38;
	[tilespmem:$0x16400] =	vst v63  }
0x5c: {  	_ =	swait.ge [sflag:s16], $0x4000  }
0x5d: {  	[sflag:s16] =	ssyncset.done $0x0  }
0x5e: {  	s31 =	sadd.s32 $0x50000, s1;
	[sflag:s16] =	ssyncadd.s32 $0xFFFFC000  }
0x5f: {  	[hbm4b:s31+s3] =	stream.linear.scatter [tilespmem:s14], [sflag:$0x6], $0x4000, $0x38;
	[tilespmem:$0x16400] =	vst v63  }
0x60: {  	_ =	swait.ge [sflag:s25], $0x4000  }
0x61: {  	[sflag:s25] =	ssyncset.done $0x0  }
0x62: {  	[sflag:s25] =	ssyncadd.s32 $0xFFFFC000  }
0x63: {  	_ =	swait.ge [sflag:s26], $0x4000  }
0x64: {  	[sflag:s26] =	ssyncset.done $0x0  }
0x65: {  	s31 =	sadd.s32 $0x100, s30;
	[sflag:s26] =	ssyncadd.s32 $0xFFFFC000  }
0x66: {  	[tilespmem:s18], [sflag:$0x3] =	stream.indirect.gather [hbm4b:s2+s12], $0x80, s31, s12, $0xb8;
	[tilespmem:$0x16400] =	vst v63  }
0x67: {  	s31 =	sadd.s32 $0x180, s30  }
0x68: {  	[tilespmem:s20], [sflag:$0x4] =	stream.indirect.gather [hbm4b:s2+s12], $0x80, s31, s12, $0xb8;
	[tilespmem:$0x16400] =	vst v63  }
0x69: {  	_ =	swait.ge [sflag:s21], $0x4000  }
0x6a: {  	[sflag:s21] =	ssyncset.done $0x0  }
.Ltmp0:
0x6b: {  	s31 =	sadd.s32 $0x60000, s1;
	[sflag:s21] =	ssyncadd.s32 $0xFFFFC000;
	(pc) =	sbr.rel @p0 .LBB2_2-.Ltmp0, $4  }
0x6c: {  	[hbm4b:s31+s3] =	stream.linear.scatter [tilespmem:s18], [sflag:$0x7], $0x4000, $0x38;
	[tilespmem:$0x16400] =	vst v63  }
0x6d: {  	_ =	swait.ge [sflag:s22], $0x4000  }
0x6e: {  	[sflag:s22] =	ssyncset.done $0x0  }
0x6f: {  	s30 =	sadd.s32 $0x200, s30;
	s31 =	sadd.s32 $0x70000, s1;
	[sflag:s22] =	ssyncadd.s32 $0xFFFFC000  }
0x70: {  	[hbm4b:s31+s3] =	stream.linear.scatter [tilespmem:s20], [sflag:$0x8], $0x4000, $0x38;
	[tilespmem:$0x16400] =	vst v63  }
0x71: {  	_ =	swait.ge [sflag:s23], $0x4000  }
0x72: {  	[sflag:s23] =	ssyncset.done $0x0  }
0x73: {  	[sflag:s23] =	ssyncadd.s32 $0xFFFFC000  }
0x74: {  	_ =	swait.ge [sflag:s24], $0x4000  }
0x75: {  	[sflag:s24] =	ssyncset.done $0x0  }
0x76: {  	s28 =	sadd.s32 $0x1, s28;
	[sflag:s24] =	ssyncadd.s32 $0xFFFFC000  }
0x77: {  	p0 =	sne.s32 s28, s6;
	_ =	swait.ge [sflag:s25], $0x4000  }
.Ltmp1:
0x78: {  	[sflag:s25] =	ssyncset.done $0x0;
	(pc) =	sbr.rel @p0 .LBB2_1-.Ltmp1, $4  }
0x79: {  	[sflag:s25] =	ssyncadd.s32 $0xFFFFC000  }
0x7a: {  	_ =	swait.ge [sflag:s26], $0x4000  }
0x7b: {  	[sflag:s26] =	ssyncset.done $0x0  }
0x7c: {  	[sflag:s26] =	ssyncadd.s32 $0xFFFFC000  }
0x7d: {  	_ =	sfence.sel $0x180000  }
0x7e: {  	[bflag:$0x0] =	sbarrier.arrive $0xFFFF  }
0x7f: {  	_ =	strace $0x90000047  }
0x80: {  	[bflag:$0x2] =	sbarrier.arrive $0xFFFF  }
0x81: {  	p0 =	sne.s32 s0, $0x0;
	s0 =	rddreg [dreg:$0x3]  }
0x82: {  	s0 =	sadd.s32 @!p0 $0x100000, s0  }
0x83: {  	[sflag:s0] =	ssyncadd.tile.s32 @!p0 $0x1;
	_ =	shalt  }
.Lfunc_end2:
_tile_overlayer_lowered:
.L_overlay_start_2:
0x84: {  	(tag) =	ssettag $0x2  }
0x85: {  	s0 =	rddreg [dreg:$0x0];
	s2 =	stileid.u32  }
0x86: {  	s1 =	rddreg [dreg:$0x1];
	p0 =	sne.s32 s2, $0x0  }
0x87: {  	s3 =	rddreg [dreg:$0x2];
	[bflag:$0x3] =	sbarrier.arrive $0xFFFF;
	s2 =	simm.s32 @!p0 $0x1C09  }
0x88: {  	[timem:s3], [sflag:s2] =	dma.local @!p0 [hbm:s0], s1  }
0x89: {  	s0 =	simm.s32 @!p0 $0x9  }
0x8a: {  	_ =	swait.ge @!p0 [sflag:s0], s1  }
0x8b: {  	s1 =	ssub.s32 @!p0 $0x0, s1;
	[sflag:s0] =	ssyncset.done @!p0 $0x0  }
0x8c: {  	[sflag:s0] =	ssyncadd.s32 @!p0 s1  }
0x8d: {  	[bflag:$0x3] =	sbarrier.arrive $0xFFFF  }
0x8e: {  	_ =	shalt  }

</sc_bundles>
